<compile_context>
chip_gen: v7x
topology: tpu7x:2x2x1
jax: 0.10.2.dev20260603
libtpu: 0.0.44.dev20260713+nightly
codegen_flags: <defaults>
</compile_context>

<pallas_src>
import functools

import jax
import jax.numpy as jnp
from jax import lax
from jax.experimental import pallas as pl
from jax.experimental.pallas import tpu as pltpu

try:
    from jax.experimental.pallas import tpu_sc as plsc
except ImportError:
    plsc = None



def _species_gather(cat_table, species):
    b = species.shape[0]
    d = cat_table.shape[1]
    nw = 32
    bpw = b // nw

    mesh = plsc.VectorSubcoreMesh(core_axis_name="c", subcore_axis_name="s")

    @functools.partial(
        pl.kernel,
        mesh=mesh,
        compiler_params=pltpu.CompilerParams(use_tc_tiling_on_sc=False),
        out_type=jax.ShapeDtypeStruct((b, d), jnp.float32),
        scratch_types=[
            pltpu.VMEM((bpw,), jnp.int32),
            pltpu.VMEM((bpw, d), jnp.float32),
            pltpu.SemaphoreType.DMA,
        ],
    )
    def gather_kernel(table_hbm, idx_hbm, out_hbm, idx_v, rows_v, sem):
        wid = lax.axis_index("s") * 2 + lax.axis_index("c")
        base = wid * bpw
        pltpu.sync_copy(idx_hbm.at[pl.ds(base, bpw)], idx_v)
        pltpu.async_copy(table_hbm.at[idx_v], rows_v, sem).wait()
        pltpu.sync_copy(rows_v, out_hbm.at[pl.ds(base, bpw)])

    return gather_kernel(cat_table, species)



def _combine_body(scale_ref, seqs_ref, vt_ref, se_ref, out_ref):
    ll, e, bbl = out_ref.shape
    ib = pl.program_id(1)
    s = seqs_ref[...]
    vt = vt_ref[...]
    sef = se_ref[:, pl.ds(ib * bbl, bbl)] * scale_ref[0]

    vplanes = [jnp.broadcast_to(vt[:, v : v + 1], (e, bbl)) for v in range(5)]
    for j in range(ll):
        s2 = jnp.broadcast_to(s[j], (e, bbl))
        r = vplanes[0]
        for v in range(1, 5):
            r = jnp.where(s2 == v, vplanes[v], r)
        out_ref[j] = r + sef


def _combine(seqs, vocab_table, species_emb, cat_scale, ll=8, bbl=4096):
    b, l = seqs.shape
    e = vocab_table.shape[1]
    vt_pad = jnp.zeros((e, 8), jnp.float32).at[:, :5].set(vocab_table.T)
    seqs_t = jnp.reshape(jnp.transpose(seqs), (l, 1, b))
    se_t = jnp.transpose(species_emb)
    scale_arr = jnp.reshape(cat_scale.astype(jnp.float32), (1,))

    grid = (l // ll, b // bbl)
    out_t = pl.pallas_call(
        _combine_body,
        grid=grid,
        in_specs=[
            pl.BlockSpec(memory_space=pltpu.SMEM),
            pl.BlockSpec((ll, 1, bbl), lambda il, ib: (il, 0, ib)),
            pl.BlockSpec((e, 8), lambda il, ib: (0, 0)),
            pl.BlockSpec((e, b), lambda il, ib: (0, 0)),
        ],
        out_specs=pl.BlockSpec((ll, e, bbl), lambda il, ib: (il, 0, ib)),
        out_shape=jax.ShapeDtypeStruct((l, e, b), jnp.float32),
    )(scale_arr, seqs_t, vt_pad, se_t)
    return jnp.transpose(out_t, (2, 0, 1))




@jax.jit
def kernel(seqs, species, vocab_table, cat_table, cat_scale):
    seqs = seqs.astype(jnp.int32)
    species = species.astype(jnp.int32)
    species_emb = _species_gather(cat_table, species)
    total_emb = _combine(seqs, vocab_table, species_emb, cat_scale)
    return (total_emb, species_emb)

# --- scband reference (transcript-rebuilt; emitter-appended) ---
"""Pipeline reference for scband-input-embedder-with-scaled-cat-4681514352985 (READ-ONLY COPY).

The authoritative reference and input builder live on the scoring server;
editing this copy changes nothing except your own understanding.
"""

import jax, jax.numpy as jnp
import numpy as np

EMB_SIZE = 64
NUM_CATEGORIES = 100000
VOCAB_SIZE = 5
PAD_IDX = VOCAB_SIZE - 1  # masking=False -> padding_idx = vocab_size - 1
B = 16384
L = 200


def setup_inputs(seed: int = 0) -> dict:
    key = jax.random.key(seed)
    k_seqs, k_species, k_vt, k_ct = jax.random.split(key, 4)
    seqs = jax.random.randint(k_seqs, (B, L), 0, VOCAB_SIZE, dtype=jnp.int64 if jax.config.jax_enable_x64 else jnp.int32)
    species = jax.random.randint(k_species, (B,), 0, NUM_CATEGORIES, dtype=jnp.int64 if jax.config.jax_enable_x64 else jnp.int32)
    # nn.Embedding default init: N(0, 1); padding_idx row zeroed at init
    vocab_table = jax.random.normal(k_vt, (VOCAB_SIZE, EMB_SIZE), dtype=jnp.float32)
    vocab_table = vocab_table.at[PAD_IDX].set(0.0)
    cat_table = jax.random.normal(k_ct, (NUM_CATEGORIES, EMB_SIZE), dtype=jnp.float32)
    cat_scale = jnp.float32(0.1)
    return {"seqs": seqs, "species": species, "vocab_table": vocab_table, "cat_table": cat_table, "cat_scale": cat_scale}


def reference(seqs, species, vocab_table, cat_table, cat_scale):
    # seq_emb = self.vocab_emb(seqs)  -> gather from small vocab table
    seq_emb = jnp.take(vocab_table, seqs, axis=0)            # [B, L, EMB]
    # species_emb = self.cat_emb(species) -> gather from large category table
    species_emb = jnp.take(cat_table, species, axis=0)       # [B, EMB]
    # total = seq_emb + cat_scale * species_emb.unsqueeze(1)
    total_emb = seq_emb + cat_scale * species_emb[:, None, :]
    return (total_emb, species_emb)

if __name__ == "__main__":
    import jax
    _d = setup_inputs()
    print(jax.jit(kernel)(*tuple(_d.values())))

</pallas_src>

<mosaic_0001>
#map = affine_map<(d0, d1) -> (0, 0)>
#map1 = affine_map<(d0, d1) -> (0)>
module attributes {stable_mosaic.version = 14 : i64} {
  func.func @gather_kernel(%arg0: i32, %arg1: i32, %arg2: memref<100000x64xf32, #tpu.memory_space<hbm>>, %arg3: memref<16384xi32, #tpu.memory_space<hbm>>, %arg4: memref<16384x64xf32, #tpu.memory_space<hbm>>, %arg5: memref<512xi32, #tpu.memory_space<vmem>>, %arg6: memref<512x64xf32, #tpu.memory_space<vmem>>, %arg7: memref<!tpu.dma_semaphore, #tpu.memory_space<semaphore_mem>>) attributes {dimension_semantics = [#tpu.dimension_semantics<core_parallel>, #tpu.dimension_semantics<subcore_parallel>], iteration_bounds = array<i64: 2, 16>, scalar_prefetch = 0 : i64, scratch_operands = 3 : i64, tpu.core_type = #tpu.core_type<sc_vector_subcore>, window_params = [{transform_indices = #map}, {transform_indices = #map1}, {transform_indices = #map}]} {
    %mul3A = arith.constant 2 : i32
    %mul3A_0 = arith.muli %arg1, %mul3A : i32
    %add3A = arith.addi %mul3A_0, %arg0 : i32
    %mul3A_1 = arith.constant 512 : i32
    %mul3A_2 = arith.muli %add3A, %mul3A_1 : i32
    "tpu.region"() ({
      %run_scoped3A = tpu.sem_alloc : memref<!tpu.dma_semaphore, #tpu.memory_space<semaphore_mem>>
      %dma_start3A_7 = tpu.memref_slice %arg3[%mul3A_2] : memref<16384xi32, #tpu.memory_space<hbm>> -> memref<512xi32, #tpu.memory_space<hbm>>
      %dma_start3A_8 = tpu.memref_slice %arg3[%mul3A_2] : memref<16384xi32, #tpu.memory_space<hbm>> -> memref<512xi32, #tpu.memory_space<hbm>>
      tpu.enqueue_dma source(%dma_start3A_8 : memref<512xi32, #tpu.memory_space<hbm>>) target(%arg5 : memref<512xi32, #tpu.memory_space<vmem>>) target_semaphore(%run_scoped3A : memref<!tpu.dma_semaphore, #tpu.memory_space<semaphore_mem>>)
      %dma_wait3A_9 = tpu.memref_slice %arg3[%mul3A_2] : memref<16384xi32, #tpu.memory_space<hbm>> -> memref<512xi32, #tpu.memory_space<hbm>>
      %dma_wait3A_10 = tpu.memref_slice %arg3[%mul3A_2] : memref<16384xi32, #tpu.memory_space<hbm>> -> memref<512xi32, #tpu.memory_space<hbm>>
      tpu.wait_dma2 semaphore(%run_scoped3A : memref<!tpu.dma_semaphore, #tpu.memory_space<semaphore_mem>>) src(%dma_wait3A_10 : memref<512xi32, #tpu.memory_space<hbm>>) dst(%arg5 : memref<512xi32, #tpu.memory_space<vmem>>)
      tpu.yield
    }) : () -> ()
    %dma_start3A = arith.constant 0 : i32
    %dma_start3A_3 = arith.constant 0 : i32
    %dma_start3A_4 = tpu.memref_slice %arg2[%dma_start3A, %dma_start3A_3] : memref<100000x64xf32, #tpu.memory_space<hbm>> -> memref<100000x64xf32, #tpu.memory_space<hbm>>
    tpu.enqueue_indirect_dma source(%dma_start3A_4 : memref<100000x64xf32, #tpu.memory_space<hbm>>) target(%arg6 : memref<512x64xf32, #tpu.memory_space<vmem>>) offsets(%arg5 : memref<512xi32, #tpu.memory_space<vmem>>) semaphore(%arg7 : memref<!tpu.dma_semaphore, #tpu.memory_space<semaphore_mem>>)
    %dma_wait3A = arith.constant 0 : i32
    %dma_wait3A_5 = arith.constant 0 : i32
    %dma_wait3A_6 = tpu.memref_slice %arg2[%dma_wait3A, %dma_wait3A_5] : memref<100000x64xf32, #tpu.memory_space<hbm>> -> memref<100000x64xf32, #tpu.memory_space<hbm>>
    tpu.wait_indirect_dma semaphore(%arg7 : memref<!tpu.dma_semaphore, #tpu.memory_space<semaphore_mem>>) src(%dma_wait3A_6 : memref<100000x64xf32, #tpu.memory_space<hbm>>) dst(%arg6 : memref<512x64xf32, #tpu.memory_space<vmem>>)
    "tpu.region"() ({
      %run_scoped3A = tpu.sem_alloc : memref<!tpu.dma_semaphore, #tpu.memory_space<semaphore_mem>>
      %dma_start3A_7 = arith.constant 0 : i32
      %dma_start3A_8 = tpu.memref_slice %arg4[%mul3A_2, %dma_start3A_7] : memref<16384x64xf32, #tpu.memory_space<hbm>> -> memref<512x64xf32, #tpu.memory_space<hbm>>
      %dma_start3A_9 = arith.constant 0 : i32
      %dma_start3A_10 = tpu.memref_slice %arg4[%mul3A_2, %dma_start3A_9] : memref<16384x64xf32, #tpu.memory_space<hbm>> -> memref<512x64xf32, #tpu.memory_space<hbm>>
      tpu.enqueue_dma source(%arg6 : memref<512x64xf32, #tpu.memory_space<vmem>>) target(%dma_start3A_10 : memref<512x64xf32, #tpu.memory_space<hbm>>) target_semaphore(%run_scoped3A : memref<!tpu.dma_semaphore, #tpu.memory_space<semaphore_mem>>)
      %dma_wait3A_11 = arith.constant 0 : i32
      %dma_wait3A_12 = tpu.memref_slice %arg4[%mul3A_2, %dma_wait3A_11] : memref<16384x64xf32, #tpu.memory_space<hbm>> -> memref<512x64xf32, #tpu.memory_space<hbm>>
      %dma_wait3A_13 = arith.constant 0 : i32
      %dma_wait3A_14 = tpu.memref_slice %arg4[%mul3A_2, %dma_wait3A_13] : memref<16384x64xf32, #tpu.memory_space<hbm>> -> memref<512x64xf32, #tpu.memory_space<hbm>>
      tpu.wait_dma2 semaphore(%run_scoped3A : memref<!tpu.dma_semaphore, #tpu.memory_space<semaphore_mem>>) src(%arg6 : memref<512x64xf32, #tpu.memory_space<vmem>>) dst(%dma_wait3A_14 : memref<512x64xf32, #tpu.memory_space<hbm>>)
      tpu.yield
    }) : () -> ()
    return
  }
}

module attributes {stable_mosaic.version = 14 : i64} {
  func.func @_combine_body(%arg0: i32, %arg1: i32, %arg2: memref<1xf32, #tpu.memory_space<smem>>, %arg3: memref<8x1x4096xi32, #tpu.memory_space<vmem>>, %arg4: memref<64x8xf32, #tpu.memory_space<vmem>>, %arg5: memref<64x16384xf32, #tpu.memory_space<vmem>>, %arg6: memref<8x64x4096xf32, #tpu.memory_space<vmem>>) attributes {dimension_semantics = [#tpu.dimension_semantics<arbitrary>, #tpu.dimension_semantics<arbitrary>], iteration_bounds = array<i64: 25, 4>, scalar_prefetch = 0 : i64, scratch_operands = 0 : i64, tpu.core_type = #tpu.core_type<tc>, window_params = [{transform_indices = @transform_0, window_bounds = array<i64: 1>}, {transform_indices = @transform_1, window_bounds = array<i64: 8, 1, 4096>}, {pipeline_mode = #tpu.pipeline_mode<synchronous>, transform_indices = @transform_2, window_bounds = array<i64: 64, 8>}, {pipeline_mode = #tpu.pipeline_mode<synchronous>, transform_indices = @transform_3, window_bounds = array<i64: 64, 16384>}, {transform_indices = @transform_4, window_bounds = array<i64: 8, 64, 4096>}]} {
    %get3A = arith.constant 0 : index
    %get3A_0 = arith.constant 0 : index
    %get3A_1 = arith.constant 0 : index
    %get3A_2 = vector.load %arg3[%get3A, %get3A_0, %get3A_1] : memref<8x1x4096xi32, #tpu.memory_space<vmem>>, vector<8x1x4096xi32>
    %get3A_3 = arith.constant 0 : index
    %get3A_4 = arith.constant 0 : index
    %get3A_5 = vector.load %arg4[%get3A_3, %get3A_4] : memref<64x8xf32, #tpu.memory_space<vmem>>, vector<64x8xf32>
    %mul3A = arith.constant 4096 : i32
    %mul3A_6 = arith.muli %arg1, %mul3A : i32
    %get3A_7 = arith.constant 0 : index
    %get3A_8 = arith.index_cast %mul3A_6 : i32 to index
    %get3A_9 = vector.load %arg5[%get3A_7, %get3A_8] : memref<64x16384xf32, #tpu.memory_space<vmem>>, vector<64x4096xf32>
    %get3A_10 = arith.constant 0 : index
    %get3A_11 = memref.load %arg2[%get3A_10] : memref<1xf32, #tpu.memory_space<smem>>
    %mul3A_12 = vector.broadcast %get3A_11 : f32 to vector<64x4096xf32>
    %mul3A_13 = arith.mulf %get3A_9, %mul3A_12 : vector<64x4096xf32>
    %slice3A = vector.extract_strided_slice %get3A_5 {offsets = [0, 0], sizes = [64, 1], strides = [1, 1]} : vector<64x8xf32> to vector<64x1xf32>
    %broadcast_in_dim3A = vector.shape_cast %slice3A : vector<64x1xf32> to vector<64x1xf32>
    %broadcast_in_dim3A_14 = vector.broadcast %broadcast_in_dim3A : vector<64x1xf32> to vector<64x4096xf32>
    %slice3A_15 = vector.extract_strided_slice %get3A_5 {offsets = [0, 1], sizes = [64, 1], strides = [1, 1]} : vector<64x8xf32> to vector<64x1xf32>
    %broadcast_in_dim3A_16 = vector.shape_cast %slice3A_15 : vector<64x1xf32> to vector<64x1xf32>
    %broadcast_in_dim3A_17 = vector.broadcast %broadcast_in_dim3A_16 : vector<64x1xf32> to vector<64x4096xf32>
    %slice3A_18 = vector.extract_strided_slice %get3A_5 {offsets = [0, 2], sizes = [64, 1], strides = [1, 1]} : vector<64x8xf32> to vector<64x1xf32>
    %broadcast_in_dim3A_19 = vector.shape_cast %slice3A_18 : vector<64x1xf32> to vector<64x1xf32>
    %broadcast_in_dim3A_20 = vector.broadcast %broadcast_in_dim3A_19 : vector<64x1xf32> to vector<64x4096xf32>
    %slice3A_21 = vector.extract_strided_slice %get3A_5 {offsets = [0, 3], sizes = [64, 1], strides = [1, 1]} : vector<64x8xf32> to vector<64x1xf32>
    %broadcast_in_dim3A_22 = vector.shape_cast %slice3A_21 : vector<64x1xf32> to vector<64x1xf32>
    %broadcast_in_dim3A_23 = vector.broadcast %broadcast_in_dim3A_22 : vector<64x1xf32> to vector<64x4096xf32>
    %slice3A_24 = vector.extract_strided_slice %get3A_5 {offsets = [0, 4], sizes = [64, 1], strides = [1, 1]} : vector<64x8xf32> to vector<64x1xf32>
    %broadcast_in_dim3A_25 = vector.shape_cast %slice3A_24 : vector<64x1xf32> to vector<64x1xf32>
    %broadcast_in_dim3A_26 = vector.broadcast %broadcast_in_dim3A_25 : vector<64x1xf32> to vector<64x4096xf32>
    %slice3A_27 = vector.extract_strided_slice %get3A_2 {offsets = [0, 0, 0], sizes = [1, 1, 4096], strides = [1, 1, 1]} : vector<8x1x4096xi32> to vector<1x1x4096xi32>
    %squeeze3A = vector.shape_cast %slice3A_27 : vector<1x1x4096xi32> to vector<1x4096xi32>
    %broadcast_in_dim3A_28 = vector.shape_cast %squeeze3A : vector<1x4096xi32> to vector<1x4096xi32>
    %broadcast_in_dim3A_29 = vector.broadcast %broadcast_in_dim3A_28 : vector<1x4096xi32> to vector<64x4096xi32>
    %eq3A = arith.constant 1 : i32
    %eq3A_30 = vector.broadcast %eq3A : i32 to vector<64x4096xi32>
    %eq3A_31 = arith.cmpi eq, %broadcast_in_dim3A_29, %eq3A_30 : vector<64x4096xi32>
    %select_n3A = arith.select %eq3A_31, %broadcast_in_dim3A_17, %broadcast_in_dim3A_14 : vector<64x4096xi1>, vector<64x4096xf32>
    %eq3A_32 = arith.constant 2 : i32
    %eq3A_33 = vector.broadcast %eq3A_32 : i32 to vector<64x4096xi32>
    %eq3A_34 = arith.cmpi eq, %broadcast_in_dim3A_29, %eq3A_33 : vector<64x4096xi32>
    %select_n3A_35 = arith.select %eq3A_34, %broadcast_in_dim3A_20, %select_n3A : vector<64x4096xi1>, vector<64x4096xf32>
    %eq3A_36 = arith.constant 3 : i32
    %eq3A_37 = vector.broadcast %eq3A_36 : i32 to vector<64x4096xi32>
    %eq3A_38 = arith.cmpi eq, %broadcast_in_dim3A_29, %eq3A_37 : vector<64x4096xi32>
    %select_n3A_39 = arith.select %eq3A_38, %broadcast_in_dim3A_23, %select_n3A_35 : vector<64x4096xi1>, vector<64x4096xf32>
    %eq3A_40 = arith.constant 4 : i32
    %eq3A_41 = vector.broadcast %eq3A_40 : i32 to vector<64x4096xi32>
    %eq3A_42 = arith.cmpi eq, %broadcast_in_dim3A_29, %eq3A_41 : vector<64x4096xi32>
    %select_n3A_43 = arith.select %eq3A_42, %broadcast_in_dim3A_26, %select_n3A_39 : vector<64x4096xi1>, vector<64x4096xf32>
    %add3A = arith.addf %select_n3A_43, %mul3A_13 : vector<64x4096xf32>
    %swap3A = arith.constant 0 : index
    %swap3A_44 = arith.constant 0 : index
    %swap3A_45 = arith.constant 0 : index
    %swap3A_46 = vector.load %arg6[%swap3A, %swap3A_44, %swap3A_45] : memref<8x64x4096xf32, #tpu.memory_space<vmem>>, vector<1x64x4096xf32>
    %swap3A_47 = vector.shape_cast %swap3A_46 : vector<1x64x4096xf32> to vector<64x4096xf32>
    %swap3A_48 = vector.shape_cast %add3A : vector<64x4096xf32> to vector<1x64x4096xf32>
    tpu.vector_store %arg6[%swap3A, %swap3A_44, %swap3A_45], %swap3A_48 {strides = array<i32>} : memref<8x64x4096xf32, #tpu.memory_space<vmem>>, vector<1x64x4096xf32>,
    %slice3A_49 = vector.extract_strided_slice %get3A_2 {offsets = [1, 0, 0], sizes = [1, 1, 4096], strides = [1, 1, 1]} : vector<8x1x4096xi32> to vector<1x1x4096xi32>
    %squeeze3A_50 = vector.shape_cast %slice3A_49 : vector<1x1x4096xi32> to vector<1x4096xi32>
    %broadcast_in_dim3A_51 = vector.shape_cast %squeeze3A_50 : vector<1x4096xi32> to vector<1x4096xi32>
    %broadcast_in_dim3A_52 = vector.broadcast %broadcast_in_dim3A_51 : vector<1x4096xi32> to vector<64x4096xi32>
    %eq3A_53 = arith.constant 1 : i32
    %eq3A_54 = vector.broadcast %eq3A_53 : i32 to vector<64x4096xi32>
    %eq3A_55 = arith.cmpi eq, %broadcast_in_dim3A_52, %eq3A_54 : vector<64x4096xi32>
    %select_n3A_56 = arith.select %eq3A_55, %broadcast_in_dim3A_17, %broadcast_in_dim3A_14 : vector<64x4096xi1>, vector<64x4096xf32>
    %eq3A_57 = arith.constant 2 : i32
    %eq3A_58 = vector.broadcast %eq3A_57 : i32 to vector<64x4096xi32>
    %eq3A_59 = arith.cmpi eq, %broadcast_in_dim3A_52, %eq3A_58 : vector<64x4096xi32>
    %select_n3A_60 = arith.select %eq3A_59, %broadcast_in_dim3A_20, %select_n3A_56 : vector<64x4096xi1>, vector<64x4096xf32>
    %eq3A_61 = arith.constant 3 : i32
    %eq3A_62 = vector.broadcast %eq3A_61 : i32 to vector<64x4096xi32>
    %eq3A_63 = arith.cmpi eq, %broadcast_in_dim3A_52, %eq3A_62 : vector<64x4096xi32>
    %select_n3A_64 = arith.select %eq3A_63, %broadcast_in_dim3A_23, %select_n3A_60 : vector<64x4096xi1>, vector<64x4096xf32>
    %eq3A_65 = arith.constant 4 : i32
    %eq3A_66 = vector.broadcast %eq3A_65 : i32 to vector<64x4096xi32>
    %eq3A_67 = arith.cmpi eq, %broadcast_in_dim3A_52, %eq3A_66 : vector<64x4096xi32>
    %select_n3A_68 = arith.select %eq3A_67, %broadcast_in_dim3A_26, %select_n3A_64 : vector<64x4096xi1>, vector<64x4096xf32>
    %add3A_69 = arith.addf %select_n3A_68, %mul3A_13 : vector<64x4096xf32>
    %swap3A_70 = arith.constant 1 : index
    %swap3A_71 = arith.constant 0 : index
    %swap3A_72 = arith.constant 0 : index
    %swap3A_73 = vector.load %arg6[%swap3A_70, %swap3A_71, %swap3A_72] : memref<8x64x4096xf32, #tpu.memory_space<vmem>>, vector<1x64x4096xf32>
    %swap3A_74 = vector.shape_cast %swap3A_73 : vector<1x64x4096xf32> to vector<64x4096xf32>
    %swap3A_75 = vector.shape_cast %add3A_69 : vector<64x4096xf32> to vector<1x64x4096xf32>
    tpu.vector_store %arg6[%swap3A_70, %swap3A_71, %swap3A_72], %swap3A_75 {strides = array<i32>} : memref<8x64x4096xf32, #tpu.memory_space<vmem>>, vector<1x64x4096xf32>,
    %slice3A_76 = vector.extract_strided_slice %get3A_2 {offsets = [2, 0, 0], sizes = [1, 1, 4096], strides = [1, 1, 1]} : vector<8x1x4096xi32> to vector<1x1x4096xi32>
    %squeeze3A_77 = vector.shape_cast %slice3A_76 : vector<1x1x4096xi32> to vector<1x4096xi32>
    %broadcast_in_dim3A_78 = vector.shape_cast %squeeze3A_77 : vector<1x4096xi32> to vector<1x4096xi32>
    %broadcast_in_dim3A_79 = vector.broadcast %broadcast_in_dim3A_78 : vector<1x4096xi32> to vector<64x4096xi32>
    %eq3A_80 = arith.constant 1 : i32
    %eq3A_81 = vector.broadcast %eq3A_80 : i32 to vector<64x4096xi32>
    %eq3A_82 = arith.cmpi eq, %broadcast_in_dim3A_79, %eq3A_81 : vector<64x4096xi32>
    %select_n3A_83 = arith.select %eq3A_82, %broadcast_in_dim3A_17, %broadcast_in_dim3A_14 : vector<64x4096xi1>, vector<64x4096xf32>
    %eq3A_84 = arith.constant 2 : i32
    %eq3A_85 = vector.broadcast %eq3A_84 : i32 to vector<64x4096xi32>
    %eq3A_86 = arith.cmpi eq, %broadcast_in_dim3A_79, %eq3A_85 : vector<64x4096xi32>
    %select_n3A_87 = arith.select %eq3A_86, %broadcast_in_dim3A_20, %select_n3A_83 : vector<64x4096xi1>, vector<64x4096xf32>
    %eq3A_88 = arith.constant 3 : i32
    %eq3A_89 = vector.broadcast %eq3A_88 : i32 to vector<64x4096xi32>
    %eq3A_90 = arith.cmpi eq, %broadcast_in_dim3A_79, %eq3A_89 : vector<64x4096xi32>
    %select_n3A_91 = arith.select %eq3A_90, %broadcast_in_dim3A_23, %select_n3A_87 : vector<64x4096xi1>, vector<64x4096xf32>
    %eq3A_92 = arith.constant 4 : i32
    %eq3A_93 = vector.broadcast %eq3A_92 : i32 to vector<64x4096xi32>
    %eq3A_94 = arith.cmpi eq, %broadcast_in_dim3A_79, %eq3A_93 : vector<64x4096xi32>
    %select_n3A_95 = arith.select %eq3A_94, %broadcast_in_dim3A_26, %select_n3A_91 : vector<64x4096xi1>, vector<64x4096xf32>
    %add3A_96 = arith.addf %select_n3A_95, %mul3A_13 : vector<64x4096xf32>
    %swap3A_97 = arith.constant 2 : index
    %swap3A_98 = arith.constant 0 : index
    %swap3A_99 = arith.constant 0 : index
    %swap3A_100 = vector.load %arg6[%swap3A_97, %swap3A_98, %swap3A_99] : memref<8x64x4096xf32, #tpu.memory_space<vmem>>, vector<1x64x4096xf32>
    %swap3A_101 = vector.shape_cast %swap3A_100 : vector<1x64x4096xf32> to vector<64x4096xf32>
    %swap3A_102 = vector.shape_cast %add3A_96 : vector<64x4096xf32> to vector<1x64x4096xf32>
    tpu.vector_store %arg6[%swap3A_97, %swap3A_98, %swap3A_99], %swap3A_102 {strides = array<i32>} : memref<8x64x4096xf32, #tpu.memory_space<vmem>>, vector<1x64x4096xf32>,
    %slice3A_103 = vector.extract_strided_slice %get3A_2 {offsets = [3, 0, 0], sizes = [1, 1, 4096], strides = [1, 1, 1]} : vector<8x1x4096xi32> to vector<1x1x4096xi32>
    %squeeze3A_104 = vector.shape_cast %slice3A_103 : vector<1x1x4096xi32> to vector<1x4096xi32>
    %broadcast_in_dim3A_105 = vector.shape_cast %squeeze3A_104 : vector<1x4096xi32> to vector<1x4096xi32>
    %broadcast_in_dim3A_106 = vector.broadcast %broadcast_in_dim3A_105 : vector<1x4096xi32> to vector<64x4096xi32>
    %eq3A_107 = arith.constant 1 : i32
    %eq3A_108 = vector.broadcast %eq3A_107 : i32 to vector<64x4096xi32>
    %eq3A_109 = arith.cmpi eq, %broadcast_in_dim3A_106, %eq3A_108 : vector<64x4096xi32>
    %select_n3A_110 = arith.select %eq3A_109, %broadcast_in_dim3A_17, %broadcast_in_dim3A_14 : vector<64x4096xi1>, vector<64x4096xf32>
    %eq3A_111 = arith.constant 2 : i32
    %eq3A_112 = vector.broadcast %eq3A_111 : i32 to vector<64x4096xi32>
    %eq3A_113 = arith.cmpi eq, %broadcast_in_dim3A_106, %eq3A_112 : vector<64x4096xi32>
    %select_n3A_114 = arith.select %eq3A_113, %broadcast_in_dim3A_20, %select_n3A_110 : vector<64x4096xi1>, vector<64x4096xf32>
    %eq3A_115 = arith.constant 3 : i32
    %eq3A_116 = vector.broadcast %eq3A_115 : i32 to vector<64x4096xi32>
    %eq3A_117 = arith.cmpi eq, %broadcast_in_dim3A_106, %eq3A_116 : vector<64x4096xi32>
    %select_n3A_118 = arith.select %eq3A_117, %broadcast_in_dim3A_23, %select_n3A_114 : vector<64x4096xi1>, vector<64x4096xf32>
    %eq3A_119 = arith.constant 4 : i32
    %eq3A_120 = vector.broadcast %eq3A_119 : i32 to vector<64x4096xi32>
    %eq3A_121 = arith.cmpi eq, %broadcast_in_dim3A_106, %eq3A_120 : vector<64x4096xi32>
    %select_n3A_122 = arith.select %eq3A_121, %broadcast_in_dim3A_26, %select_n3A_118 : vector<64x4096xi1>, vector<64x4096xf32>
    %add3A_123 = arith.addf %select_n3A_122, %mul3A_13 : vector<64x4096xf32>
    %swap3A_124 = arith.constant 3 : index
    %swap3A_125 = arith.constant 0 : index
    %swap3A_126 = arith.constant 0 : index
    %swap3A_127 = vector.load %arg6[%swap3A_124, %swap3A_125, %swap3A_126] : memref<8x64x4096xf32, #tpu.memory_space<vmem>>, vector<1x64x4096xf32>
    %swap3A_128 = vector.shape_cast %swap3A_127 : vector<1x64x4096xf32> to vector<64x4096xf32>
    %swap3A_129 = vector.shape_cast %add3A_123 : vector<64x4096xf32> to vector<1x64x4096xf32>
    tpu.vector_store %arg6[%swap3A_124, %swap3A_125, %swap3A_126], %swap3A_129 {strides = array<i32>} : memref<8x64x4096xf32, #tpu.memory_space<vmem>>, vector<1x64x4096xf32>,
    %slice3A_130 = vector.extract_strided_slice %get3A_2 {offsets = [4, 0, 0], sizes = [1, 1, 4096], strides = [1, 1, 1]} : vector<8x1x4096xi32> to vector<1x1x4096xi32>
    %squeeze3A_131 = vector.shape_cast %slice3A_130 : vector<1x1x4096xi32> to vector<1x4096xi32>
    %broadcast_in_dim3A_132 = vector.shape_cast %squeeze3A_131 : vector<1x4096xi32> to vector<1x4096xi32>
    %broadcast_in_dim3A_133 = vector.broadcast %broadcast_in_dim3A_132 : vector<1x4096xi32> to vector<64x4096xi32>
    %eq3A_134 = arith.constant 1 : i32
    %eq3A_135 = vector.broadcast %eq3A_134 : i32 to vector<64x4096xi32>
    %eq3A_136 = arith.cmpi eq, %broadcast_in_dim3A_133, %eq3A_135 : vector<64x4096xi32>
    %select_n3A_137 = arith.select %eq3A_136, %broadcast_in_dim3A_17, %broadcast_in_dim3A_14 : vector<64x4096xi1>, vector<64x4096xf32>
    %eq3A_138 = arith.constant 2 : i32
    %eq3A_139 = vector.broadcast %eq3A_138 : i32 to vector<64x4096xi32>
    %eq3A_140 = arith.cmpi eq, %broadcast_in_dim3A_133, %eq3A_139 : vector<64x4096xi32>
    %select_n3A_141 = arith.select %eq3A_140, %broadcast_in_dim3A_20, %select_n3A_137 : vector<64x4096xi1>, vector<64x4096xf32>
    %eq3A_142 = arith.constant 3 : i32
    %eq3A_143 = vector.broadcast %eq3A_142 : i32 to vector<64x4096xi32>
    %eq3A_144 = arith.cmpi eq, %broadcast_in_dim3A_133, %eq3A_143 : vector<64x4096xi32>
    %select_n3A_145 = arith.select %eq3A_144, %broadcast_in_dim3A_23, %select_n3A_141 : vector<64x4096xi1>, vector<64x4096xf32>
    %eq3A_146 = arith.constant 4 : i32
    %eq3A_147 = vector.broadcast %eq3A_146 : i32 to vector<64x4096xi32>
    %eq3A_148 = arith.cmpi eq, %broadcast_in_dim3A_133, %eq3A_147 : vector<64x4096xi32>
    %select_n3A_149 = arith.select %eq3A_148, %broadcast_in_dim3A_26, %select_n3A_145 : vector<64x4096xi1>, vector<64x4096xf32>
    %add3A_150 = arith.addf %select_n3A_149, %mul3A_13 : vector<64x4096xf32>
    %swap3A_151 = arith.constant 4 : index
    %swap3A_152 = arith.constant 0 : index
    %swap3A_153 = arith.constant 0 : index
    %swap3A_154 = vector.load %arg6[%swap3A_151, %swap3A_152, %swap3A_153] : memref<8x64x4096xf32, #tpu.memory_space<vmem>>, vector<1x64x4096xf32>
    %swap3A_155 = vector.shape_cast %swap3A_154 : vector<1x64x4096xf32> to vector<64x4096xf32>
    %swap3A_156 = vector.shape_cast %add3A_150 : vector<64x4096xf32> to vector<1x64x4096xf32>
    tpu.vector_store %arg6[%swap3A_151, %swap3A_152, %swap3A_153], %swap3A_156 {strides = array<i32>} : memref<8x64x4096xf32, #tpu.memory_space<vmem>>, vector<1x64x4096xf32>,
    %slice3A_157 = vector.extract_strided_slice %get3A_2 {offsets = [5, 0, 0], sizes = [1, 1, 4096], strides = [1, 1, 1]} : vector<8x1x4096xi32> to vector<1x1x4096xi32>
    %squeeze3A_158 = vector.shape_cast %slice3A_157 : vector<1x1x4096xi32> to vector<1x4096xi32>
    %broadcast_in_dim3A_159 = vector.shape_cast %squeeze3A_158 : vector<1x4096xi32> to vector<1x4096xi32>
    %broadcast_in_dim3A_160 = vector.broadcast %broadcast_in_dim3A_159 : vector<1x4096xi32> to vector<64x4096xi32>
    %eq3A_161 = arith.constant 1 : i32
    %eq3A_162 = vector.broadcast %eq3A_161 : i32 to vector<64x4096xi32>
    %eq3A_163 = arith.cmpi eq, %broadcast_in_dim3A_160, %eq3A_162 : vector<64x4096xi32>
    %select_n3A_164 = arith.select %eq3A_163, %broadcast_in_dim3A_17, %broadcast_in_dim3A_14 : vector<64x4096xi1>, vector<64x4096xf32>
    %eq3A_165 = arith.constant 2 : i32
    %eq3A_166 = vector.broadcast %eq3A_165 : i32 to vector<64x4096xi32>
    %eq3A_167 = arith.cmpi eq, %broadcast_in_dim3A_160, %eq3A_166 : vector<64x4096xi32>
    %select_n3A_168 = arith.select %eq3A_167, %broadcast_in_dim3A_20, %select_n3A_164 : vector<64x4096xi1>, vector<64x4096xf32>
    %eq3A_169 = arith.constant 3 : i32
    %eq3A_170 = vector.broadcast %eq3A_169 : i32 to vector<64x4096xi32>
    %eq3A_171 = arith.cmpi eq, %broadcast_in_dim3A_160, %eq3A_170 : vector<64x4096xi32>
    %select_n3A_172 = arith.select %eq3A_171, %broadcast_in_dim3A_23, %select_n3A_168 : vector<64x4096xi1>, vector<64x4096xf32>
    %eq3A_173 = arith.constant 4 : i32
    %eq3A_174 = vector.broadcast %eq3A_173 : i32 to vector<64x4096xi32>
    %eq3A_175 = arith.cmpi eq, %broadcast_in_dim3A_160, %eq3A_174 : vector<64x4096xi32>
    %select_n3A_176 = arith.select %eq3A_175, %broadcast_in_dim3A_26, %select_n3A_172 : vector<64x4096xi1>, vector<64x4096xf32>
    %add3A_177 = arith.addf %select_n3A_176, %mul3A_13 : vector<64x4096xf32>
    %swap3A_178 = arith.constant 5 : index
    %swap3A_179 = arith.constant 0 : index
    %swap3A_180 = arith.constant 0 : index
    %swap3A_181 = vector.load %arg6[%swap3A_178, %swap3A_179, %swap3A_180] : memref<8x64x4096xf32, #tpu.memory_space<vmem>>, vector<1x64x4096xf32>
    %swap3A_182 = vector.shape_cast %swap3A_181 : vector<1x64x4096xf32> to vector<64x4096xf32>
    %swap3A_183 = vector.shape_cast %add3A_177 : vector<64x4096xf32> to vector<1x64x4096xf32>
    tpu.vector_store %arg6[%swap3A_178, %swap3A_179, %swap3A_180], %swap3A_183 {strides = array<i32>} : memref<8x64x4096xf32, #tpu.memory_space<vmem>>, vector<1x64x4096xf32>,
    %slice3A_184 = vector.extract_strided_slice %get3A_2 {offsets = [6, 0, 0], sizes = [1, 1, 4096], strides = [1, 1, 1]} : vector<8x1x4096xi32> to vector<1x1x4096xi32>
    %squeeze3A_185 = vector.shape_cast %slice3A_184 : vector<1x1x4096xi32> to vector<1x4096xi32>
    %broadcast_in_dim3A_186 = vector.shape_cast %squeeze3A_185 : vector<1x4096xi32> to vector<1x4096xi32>
    %broadcast_in_dim3A_187 = vector.broadcast %broadcast_in_dim3A_186 : vector<1x4096xi32> to vector<64x4096xi32>
    %eq3A_188 = arith.constant 1 : i32
    %eq3A_189 = vector.broadcast %eq3A_188 : i32 to vector<64x4096xi32>
    %eq3A_190 = arith.cmpi eq, %broadcast_in_dim3A_187, %eq3A_189 : vector<64x4096xi32>
    %select_n3A_191 = arith.select %eq3A_190, %broadcast_in_dim3A_17, %broadcast_in_dim3A_14 : vector<64x4096xi1>, vector<64x4096xf32>
    %eq3A_192 = arith.constant 2 : i32
    %eq3A_193 = vector.broadcast %eq3A_192 : i32 to vector<64x4096xi32>
    %eq3A_194 = arith.cmpi eq, %broadcast_in_dim3A_187, %eq3A_193 : vector<64x4096xi32>
    %select_n3A_195 = arith.select %eq3A_194, %broadcast_in_dim3A_20, %select_n3A_191 : vector<64x4096xi1>, vector<64x4096xf32>
    %eq3A_196 = arith.constant 3 : i32
    %eq3A_197 = vector.broadcast %eq3A_196 : i32 to vector<64x4096xi32>
    %eq3A_198 = arith.cmpi eq, %broadcast_in_dim3A_187, %eq3A_197 : vector<64x4096xi32>
    %select_n3A_199 = arith.select %eq3A_198, %broadcast_in_dim3A_23, %select_n3A_195 : vector<64x4096xi1>, vector<64x4096xf32>
    %eq3A_200 = arith.constant 4 : i32
    %eq3A_201 = vector.broadcast %eq3A_200 : i32 to vector<64x4096xi32>
    %eq3A_202 = arith.cmpi eq, %broadcast_in_dim3A_187, %eq3A_201 : vector<64x4096xi32>
    %select_n3A_203 = arith.select %eq3A_202, %broadcast_in_dim3A_26, %select_n3A_199 : vector<64x4096xi1>, vector<64x4096xf32>
    %add3A_204 = arith.addf %select_n3A_203, %mul3A_13 : vector<64x4096xf32>
    %swap3A_205 = arith.constant 6 : index
    %swap3A_206 = arith.constant 0 : index
    %swap3A_207 = arith.constant 0 : index
    %swap3A_208 = vector.load %arg6[%swap3A_205, %swap3A_206, %swap3A_207] : memref<8x64x4096xf32, #tpu.memory_space<vmem>>, vector<1x64x4096xf32>
    %swap3A_209 = vector.shape_cast %swap3A_208 : vector<1x64x4096xf32> to vector<64x4096xf32>
    %swap3A_210 = vector.shape_cast %add3A_204 : vector<64x4096xf32> to vector<1x64x4096xf32>
    tpu.vector_store %arg6[%swap3A_205, %swap3A_206, %swap3A_207], %swap3A_210 {strides = array<i32>} : memref<8x64x4096xf32, #tpu.memory_space<vmem>>, vector<1x64x4096xf32>,
    %slice3A_211 = vector.extract_strided_slice %get3A_2 {offsets = [7, 0, 0], sizes = [1, 1, 4096], strides = [1, 1, 1]} : vector<8x1x4096xi32> to vector<1x1x4096xi32>
    %squeeze3A_212 = vector.shape_cast %slice3A_211 : vector<1x1x4096xi32> to vector<1x4096xi32>
    %broadcast_in_dim3A_213 = vector.shape_cast %squeeze3A_212 : vector<1x4096xi32> to vector<1x4096xi32>
    %broadcast_in_dim3A_214 = vector.broadcast %broadcast_in_dim3A_213 : vector<1x4096xi32> to vector<64x4096xi32>
    %eq3A_215 = arith.constant 1 : i32
    %eq3A_216 = vector.broadcast %eq3A_215 : i32 to vector<64x4096xi32>
    %eq3A_217 = arith.cmpi eq, %broadcast_in_dim3A_214, %eq3A_216 : vector<64x4096xi32>
    %select_n3A_218 = arith.select %eq3A_217, %broadcast_in_dim3A_17, %broadcast_in_dim3A_14 : vector<64x4096xi1>, vector<64x4096xf32>
    %eq3A_219 = arith.constant 2 : i32
    %eq3A_220 = vector.broadcast %eq3A_219 : i32 to vector<64x4096xi32>
    %eq3A_221 = arith.cmpi eq, %broadcast_in_dim3A_214, %eq3A_220 : vector<64x4096xi32>
    %select_n3A_222 = arith.select %eq3A_221, %broadcast_in_dim3A_20, %select_n3A_218 : vector<64x4096xi1>, vector<64x4096xf32>
    %eq3A_223 = arith.constant 3 : i32
    %eq3A_224 = vector.broadcast %eq3A_223 : i32 to vector<64x4096xi32>
    %eq3A_225 = arith.cmpi eq, %broadcast_in_dim3A_214, %eq3A_224 : vector<64x4096xi32>
    %select_n3A_226 = arith.select %eq3A_225, %broadcast_in_dim3A_23, %select_n3A_222 : vector<64x4096xi1>, vector<64x4096xf32>
    %eq3A_227 = arith.constant 4 : i32
    %eq3A_228 = vector.broadcast %eq3A_227 : i32 to vector<64x4096xi32>
    %eq3A_229 = arith.cmpi eq, %broadcast_in_dim3A_214, %eq3A_228 : vector<64x4096xi32>
    %select_n3A_230 = arith.select %eq3A_229, %broadcast_in_dim3A_26, %select_n3A_226 : vector<64x4096xi1>, vector<64x4096xf32>
    %add3A_231 = arith.addf %select_n3A_230, %mul3A_13 : vector<64x4096xf32>
    %swap3A_232 = arith.constant 7 : index
    %swap3A_233 = arith.constant 0 : index
    %swap3A_234 = arith.constant 0 : index
    %swap3A_235 = vector.load %arg6[%swap3A_232, %swap3A_233, %swap3A_234] : memref<8x64x4096xf32, #tpu.memory_space<vmem>>, vector<1x64x4096xf32>
    %swap3A_236 = vector.shape_cast %swap3A_235 : vector<1x64x4096xf32> to vector<64x4096xf32>
    %swap3A_237 = vector.shape_cast %add3A_231 : vector<64x4096xf32> to vector<1x64x4096xf32>
    tpu.vector_store %arg6[%swap3A_232, %swap3A_233, %swap3A_234], %swap3A_237 {strides = array<i32>} : memref<8x64x4096xf32, #tpu.memory_space<vmem>>, vector<1x64x4096xf32>,
    return
  }
  func.func @transform_0(%arg0: i32, %arg1: i32) -> i32 {
    %c0_i32 = arith.constant 0 : i32
    %c0_i32_0 = arith.constant 0 : i32
    return %c0_i32 : i32
  }
  func.func @transform_1(%arg0: i32, %arg1: i32) -> (i32, i32, i32) {
    %c0_i32 = arith.constant 0 : i32
    %c0_i32_0 = arith.constant 0 : i32
    return %arg0, %c0_i32, %arg1 : i32, i32, i32
  }
  func.func @transform_2(%arg0: i32, %arg1: i32) -> (i32, i32) {
    %c0_i32 = arith.constant 0 : i32
    %c0_i32_0 = arith.constant 0 : i32
    %c0_i32_1 = arith.constant 0 : i32
    return %c0_i32, %c0_i32_0 : i32, i32
  }
  func.func @transform_3(%arg0: i32, %arg1: i32) -> (i32, i32) {
    %c0_i32 = arith.constant 0 : i32
    %c0_i32_0 = arith.constant 0 : i32
    %c0_i32_1 = arith.constant 0 : i32
    return %c0_i32, %c0_i32_0 : i32, i32
  }
  func.func @transform_4(%arg0: i32, %arg1: i32) -> (i32, i32, i32) {
    %c0_i32 = arith.constant 0 : i32
    %c0_i32_0 = arith.constant 0 : i32
    return %arg0, %c0_i32, %arg1 : i32, i32, i32
  }
}

</mosaic_0001>

<sc_bundles>
// kernel: kernel.4.cloned.1.call-start
scs
__scs_entry_jumppad:
0x0: {  	(pc) =	sbr.rel $0x88, $3  }
0x1: {  	(tag) =	ssettag $0x0;
	lr =	simm.s32 $0x1  }
0x2: {  	[smem:$0x3F9C] =	sst lr;
	_ =	strace $0xD0000000  }
0x3: {  	_ = 	snop  }
0x4: {  	_ = 	snop  }
0x5: {  	_ = 	snop  }
0x6: {  	_ = 	snop  }
0x7: {  	_ = 	snop  }
__scs_overlays_trampoline_lowered:
0x8: {  	[smem:$0x3FAB] =	sst s0  }
0x9: {  	[smem:$0x3FAC] =	sst s1  }
0xa: {  	[smem:$0x3FAD] =	sst s2  }
0xb: {  	[smem:$0x3FAE] =	sst s3  }
0xc: {  	[smem:$0x3FAF] =	sst s4  }
0xd: {  	[smem:$0x3FB0] =	sst s5  }
0xe: {  	[smem:$0x3FB1] =	sst s6  }
0xf: {  	[smem:$0x3FB2] =	sst s7  }
0x10: {  	[smem:$0x3FB3] =	sst s8  }
0x11: {  	[smem:$0x3FB4] =	sst s9;
	s0 =	simm.s32 @!p0 $0x0  }
0x12: {  	s1 =	sld [smem:$0x3F9A];
	s0 =	simm.s32 @p0 $0x1  }
0x13: {  	[smem:$0x3FB5] =	sst s0;
	s0 =	simm.s32 @!p1 $0x0  }
0x14: {  	s2 =	sld [smem:$0x3F99];
	s0 =	simm.s32 @p1 $0x1  }
0x15: {  	[smem:$0x3FB6] =	sst s0;
	s0 =	simm.s32 @!p2 $0x0  }
0x16: {  	s3 =	sld [smem:$0x3FDB];
	s0 =	simm.s32 @p2 $0x1  }
0x17: {  	s4 =	simm.s32 $0x1BF5;
	[smem:$0x3FB8] =	sst s0  }
0x18: {  	s0 =	sld [smem:$0x3F9B];
	_ =	swait.ge [sflag:s4], $0x0  }
0x19: {  	s7 =	sld [smem:$0x3F9C]  }
0x1a: {  	s8 =	sadd.s32 $0xFFFFE003, lr  }
0x1b: {  	s9 =	sadd.s32 $0xFFFFFEF7, lr;
	s5 =	simm.s32 $0xFFFFFFFF;
	p2 =	slt.u32 s8, $0xFFFFF086  }
0x1c: {  	p1 =	slt.u32 s9, $0xF7A;
	s5 =	simm.s32 @!p2 $0x0  }
0x1d: {  	s5 =	simm.s32 @p1 $0x1;
	p0 =	seq.s32 s7, s2  }
0x1e: {  	s7 =	smul.u32 @!p0 $0xF7A, s2;
	p2 =	seq.s32 @!p0 s5, $0x0  }
0x1f: {  	s9 =	smul.u32 $0xF7A, s1;
	s8 =	simm.s32 @!p0 $0x1BF5;
	p2 =	por !p2, p0  }
0x20: {  	[sflag:s8] =	ssyncset.s32 @!p0 $0xFFFFF086;
	s6 =	sadd.s32 @!p0 s3, s7;
	s7 =	simm.s32 @!p0 $0x108  }
0x21: {  	s3 =	sadd.s32 s3, s9;
	s6 =	sadd.s32 @!p0 $0x88, s6;
	s7 =	simm.s32 @p2 $0x1082  }
0x22: {  	[simem:s7], [sflag:s8] =	dma.local @!p0 [hbm:s6], $0xF7A  }
0x23: {  	s9 =	sor.u32 $0xD0000000, s2;
	s6 =	simm.s32 $0x108;
	_ =	swait.ge @!p0 [sflag:s8], $0x0  }
0x24: {  	s3 =	sadd.s32 $0x88, s3;
	s6 =	simm.s32 @!p1 $0x1082;
	[sflag:s4] =	ssyncset.s32 $0xFFFFF086  }
0x25: {  	[simem:s6], [sflag:s4] =	dma.local [hbm:s3], $0xF7A  }
0x26: {  	[smem:$0x3F9C] =	sst s1;
	(tag) =	ssettag s2;
	_ =	strace s9  }
0x27: {  	s1 =	sld [smem:$0x3FAC]  }
0x28: {  	s2 =	sld [smem:$0x3FAD]  }
0x29: {  	s4 =	sld [smem:$0x3FAF]  }
0x2a: {  	p0 =	seq.s32 s5, $0x0;
	s5 =	sld [smem:$0x3FB0]  }
0x2b: {  	s6 =	sld [smem:$0x3FB1]  }
0x2c: {  	s7 =	sld [smem:$0x3FB2]  }
0x2d: {  	s3 =	simm.s32 $0x108;
	s8 =	sld [smem:$0x3FB3]  }
0x2e: {  	s3 =	simm.s32 @!p0 $0x1082;
	s9 =	sld [smem:$0x3FB4]  }
0x2f: {  	lr =	sadd.s32 s0, s3;
	s0 =	sld [smem:$0x3FAB]  }
0x30: {  	s3 =	sld [smem:$0x3FAE]  }
0x31: {  	[smem:$0x3FB7] =	sst s10  }
0x32: {  	s10 =	sld [smem:$0x3FB5];
	_ =	sdelay $0x3  }
0x33: {  	p0 =	seq.s32 s10, $0x1;
	s10 =	sld [smem:$0x3FB7];
	_ =	sdelay $0x3  }
0x34: {  	[smem:$0x3FB7] =	sst s10  }
0x35: {  	s10 =	sld [smem:$0x3FB6];
	_ =	sdelay $0x3  }
0x36: {  	p1 =	seq.s32 s10, $0x1;
	s10 =	sld [smem:$0x3FB7];
	_ =	sdelay $0x3  }
0x37: {  	[smem:$0x3FB7] =	sst s10  }
0x38: {  	s10 =	sld [smem:$0x3FB8]  }
0x39: {  	_ = 	snop;
	(pc) =	sbr.ind lr, $3  }
0x3a: {  	_ = 	snop  }
0x3b: {  	_ = 	snop  }
0x3c: {  	p2 =	seq.s32 s10, $0x1;
	s10 =	sld [smem:$0x3FB7]  }
0x3d: {  	_ =	shalt  }
0x3e: {  	_ =	shalt  }
0x3f: {  	_ =	shalt  }
0x40: {  	_ =	shalt  }
0x41: {  	_ =	shalt  }
0x42: {  	_ =	shalt  }
0x43: {  	_ =	shalt  }
0x44: {  	_ =	shalt  }
0x45: {  	_ =	shalt  }
0x46: {  	_ =	shalt  }
0x47: {  	_ =	shalt  }
0x48: {  	_ =	shalt  }
0x49: {  	_ =	shalt  }
0x4a: {  	_ =	shalt  }
0x4b: {  	_ =	shalt  }
0x4c: {  	_ =	shalt  }
0x4d: {  	_ =	shalt  }
0x4e: {  	_ =	shalt  }
0x4f: {  	_ =	shalt  }
0x50: {  	_ =	shalt  }
0x51: {  	_ =	shalt  }
0x52: {  	_ =	shalt  }
0x53: {  	_ =	shalt  }
0x54: {  	_ =	shalt  }
0x55: {  	_ =	shalt  }
0x56: {  	_ =	shalt  }
0x57: {  	_ =	shalt  }
0x58: {  	_ =	shalt  }
0x59: {  	_ =	shalt  }
0x5a: {  	_ =	shalt  }
0x5b: {  	_ =	shalt  }
0x5c: {  	_ =	shalt  }
0x5d: {  	_ =	shalt  }
0x5e: {  	_ =	shalt  }
0x5f: {  	_ =	shalt  }
0x60: {  	_ =	shalt  }
0x61: {  	_ =	shalt  }
0x62: {  	_ =	shalt  }
0x63: {  	_ =	shalt  }
0x64: {  	_ =	shalt  }
0x65: {  	_ =	shalt  }
0x66: {  	_ =	shalt  }
0x67: {  	_ =	shalt  }
0x68: {  	_ =	shalt  }
0x69: {  	_ =	shalt  }
0x6a: {  	_ =	shalt  }
0x6b: {  	_ =	shalt  }
0x6c: {  	_ =	shalt  }
0x6d: {  	_ =	shalt  }
0x6e: {  	_ =	shalt  }
0x6f: {  	_ =	shalt  }
0x70: {  	_ =	shalt  }
0x71: {  	_ =	shalt  }
0x72: {  	_ =	shalt  }
0x73: {  	_ =	shalt  }
0x74: {  	_ =	shalt  }
0x75: {  	_ =	shalt  }
0x76: {  	_ =	shalt  }
0x77: {  	_ =	shalt  }
0x78: {  	_ =	shalt  }
0x79: {  	_ =	shalt  }
0x7a: {  	_ =	shalt  }
0x7b: {  	_ =	shalt  }
0x7c: {  	_ =	shalt  }
0x7d: {  	_ =	shalt  }
0x7e: {  	_ =	shalt  }
0x7f: {  	_ =	shalt  }
0x80: {  	_ =	shalt  }
0x81: {  	_ =	shalt  }
0x82: {  	_ =	shalt  }
0x83: {  	_ =	shalt  }
0x84: {  	_ =	shalt  }
0x85: {  	_ =	shalt  }
0x86: {  	_ =	shalt  }
0x87: {  	_ =	shalt  }
.Lfunc_end0:
.L_simem_size_0:
called_computation_lowered:
.L_overlay_start_0:
0x88: {  	s2 =	sld [smem:$0x3FD9]  }
0x89: {  	s3 =	sld [smem:$0x3FFE];
	_ =	sdelay $0x1  }
0x8a: {  	s1 =	srdreg.scid  }
0x8b: {  	s0 =	sand.u32 $0x1, s1  }
0x8c: {  	s14 =	sshll.u32 s0, $0xA;
	s2 =	sadd.s32 s3, s2  }
0x8d: {  	s2 =	sadd.s32 s2, s14  }
0x8e: {  	[smem:$0x3FC3] =	sst s2  }
0x8f: {  	_ = 	snop  }
0x90: {  	s2 =	sld [smem:$0x3FD0];
	_ =	sdelay $0x2  }
0x91: {  	s4 =	simm.s32 $0xA;
	s5 =	simm.s32 $0x10;
	s15 =	sld [smem:$0x3FC8]  }
0x92: {  	[smem:s5], [sflag:s4] =	dma.local [hbm:s2], $0x1  }
0x93: {  	_ =	swait.eq [sflag:s4], $0x1  }
0x94: {  	[sflag:s4] =	ssyncset.done $0x0  }
0x95: {  	[sflag:s4] =	ssyncadd.s32 $0xFFFFFFFF  }
0x96: {  	s16 =	sld [smem:$0x11];
	(tm) =	ssettm $0x1  }
0x97: {  	s17 =	sld [smem:$0x3FFB];
	_ =	sdelay $0x3  }
0x98: {  	_ =	strace s17  }
0x99: {  	s4 =	sld [smem:$0x3FFC];
	_ =	sdelay $0x3  }
0x9a: {  	_ =	strace s4  }
0x9b: {  	s4 =	sld [smem:$0x3FFD];
	_ =	sdelay $0x3  }
0x9c: {  	_ =	strace s4  }
0x9d: {  	_ =	strace $0x8FFFFFFF  }
0x9e: {  	s18 =	sld [smem:$0x3FDB];
	_ =	sdelay $0x1  }
0x9f: {  	s19 =	simm.s32 $_scs_section_size  }
0xa0: {  	s6 =	simm.s32 $_size__tile_overlayer_lowered;
	s7 =	simm.s32 $_tile_overlayer_lowered  }
0xa1: {  	s22 =	simm.s32 $0x1BFF;
	s21 =	sshll.u32 s7, $0x1;
	s4 =	sadd.s32 s19, s18  }
0xa2: {  	s8 =	simm.s32 $0x0;
	s20 =	sshll.u32 s6, $0x1;
	s6 =	sadd.s32 s21, s4  }
0xa3: {  	[timem:s8], [sflag:s22] =	dma.local [hbm:s6], s20  }
0xa4: {  	_ =	swait.ge [sflag:s22], s20  }
0xa5: {  	s5 =	ssub.s32 $0x0, s20;
	[sflag:s22] =	ssyncset.done $0x0  }
0xa6: {  	[sflag:s22] =	ssyncadd.s32 s5;
	_ =	sdelay $0x1  }
0xa7: {  	s23 =	simm.s32 $0x1B8B  }
0xa8: {  	_ =	swait.ge [sflag:s23], $0x1  }
0xa9: {  	[sflag:s23] =	ssyncset.done $0x0  }
0xaa: {  	s25 =	simm.s32 $0x1B8E;
	s24 =	sld [smem:$0x3FFE];
	[sflag:s23] =	ssyncadd.s32 $0xFFFFFFFF  }
0xab: {  	s26 =	simm.s32 $execute0_lowered;
	[smem:$0x3FD2] =	sst s25  }
0xac: {  	s6 =	sshll.u32 s26, $0x1;
	_ =	strace $0x80000046;
	[dreg:$0x1] =	wrdreg $0xFFFFFFFF  }
0xad: {  	s28 =	simm.s32 $_size_execute0_lowered;
	s4 =	sadd.s32 s4, s6;
	[dreg:$0x0] =	wrdreg $0x0  }
0xae: {  	s6 =	sshll.u32 s28, $0x1;
	[dreg:$0x2] =	wrdreg s4  }
0xaf: {  	[dreg:$0x3] =	wrdreg s6  }
0xb0: {  	[dreg:$0x4] =	wrdreg $0xC0  }
0xb1: {  	_ =	task [dreg:s8], $0x5FFFF  }
0xb2: {  	[dreg:$0x1] =	wrdreg $0xFFFFFFFF  }
0xb3: {  	[dreg:$0x0] =	wrdreg $0x60  }
0xb4: {  	[dreg:$0x2] =	wrdreg s24  }
0xb5: {  	[dreg:$0x3] =	wrdreg s15  }
0xb6: {  	[dreg:$0x4] =	wrdreg s16  }
0xb7: {  	[dreg:$0x5] =	wrdreg $0x9  }
0xb8: {  	_ =	task.clear_ibuf [dreg:s8], $0x6FFFF;
	_ =	strace $0x90000046  }
0xb9: {  	s29 =	simm.s32 $0x9;
	_ =	strace $0x80000048  }
0xba: {  	_ =	swait.ge [sflag:s29], $0x1  }
0xbb: {  	[sflag:s29] =	ssyncadd.s32 $0xFFFFFFFF  }
0xbc: {  	_ =	strace $0x90000048  }
0xbd: {  	_ =	sfence  }
0xbe: {  	s30 =	sld [smem:$0x0];
	_ =	sdelay $0x2  }
0xbf: {  	s31 =	sshll.u32 s1, $0xD;
	s1 =	sshrl.u32 s1, $0x2  }
0xc0: {  	s3 =	sand.u32 $0x4000, s31;
	s1 =	sadd.s32 s1, s30  }
0xc1: {  	s0 =	sor.u32 s3, s0;
	s1 =	sshll.u32 s1, $0x11  }
0xc2: {  	s0 =	sor.u32 s1, s0  }
0xc3: {  	s0 =	sadd.s32 $0x8F2B, s0  }
0xc4: {  	[sflag:s0] =	ssyncadd.remote.s32 $0x1  }
0xc5: {  	_ =	sfence.sel $0xFFFF  }
0xc6: {  	[dreg:$0x0] =	wrdreg $0xFFFFFFFF;
	(pc) =	sbr.abs _section_cstart, $3  }
0xc7: {  	[dreg:$0x1] =	wrdreg $0xFFFFFFFF  }
0xc8: {  	_ =	task.clear_ibuf [dreg:s8], $0x2FFFF;
	_ =	strace $0x9FFFFFFF  }
0xc9: {  	(tm) =	ssettm $0x7FFFFFFF  }
tec
execute0_lowered:
.L_overlay_start_1:
0x0: {  	(tag) =	ssettag $0x1  }
0x1: {  	s5 =	rddreg [dreg:$0x0]  }
0x2: {  	s1 =	srdreg.scid;
	s3 =	rddreg [dreg:$0x1]  }
0x3: {  	s0 =	stileid.u32;
	s8 =	rddreg [dreg:$0x2];
	s6 =	sand.u32 $0x1, s1  }
0x4: {  	s2 =	simm.s32 $0x0;
	s4 =	sshll.u32 s0, $0xA;
	s7 =	sshll.u32 s6, $0x9  }
0x5: {  	[smem:$0x7FF] =	sst s2;
	s9 =	sor.u32 s7, s4  }
0x6: {  	s1 =	rddreg [dreg:$0x3];
	_ =	strace $0x80000047;
	s4 =	sshrl.u32 s9, $0x3  }
0x7: {  	s10 =	ssub.s32 $0x2, s6;
	s4 =	sadd.s32 s3, s4;
	s3 =	simm.s32 $0x2  }
0x8: {  	[tilespmem:s2], [sflag:$0x2] =	stream.linear.gather [hbm4b:s4+s2], $0x200, $0x38;
	[tilespmem:$0x8200] =	vst v63  }
0x9: {  	s5 =	sadd.s32 $0x1400, s5;
	s11 =	sshrl.u32 s10, $0x1;
	_ =	swait.ge [sflag:s3], $0x200  }
0xa: {  	s6 =	simm.s32 $0x200;
	s10 =	ssub.s32 s10, s11;
	[sflag:s3] =	ssyncset.done $0x0  }
0xb: {  	s7 =	simm.s32 $0x1;
	s31 =	smax.u32 s10, $0x1;
	[sflag:s3] =	ssyncadd.s32 $0xFFFFFE00  }
0xc: {  	[tilespmem:s6], [sflag:$0x1] =	stream.indirect.gather [hbm4b:s5+s6], $0x40, s2, s6, $0xb8;
	[tilespmem:$0x8200] =	vst v63  }
0xd: {  	p0 =	sne.s32 s31, $0x1;
	_ =	swait.ge [sflag:s7], $0x8000  }
.Ltmp0:
0xe: {  	s9 =	sshll.u32 s9, $0x3;
	[sflag:s7] =	ssyncset.done $0x0;
	(pc) =	sbr.rel @!p0 .LBB2_2-.Ltmp0, $4  }
0xf: {  	s8 =	sadd.s32 s8, s9;
	[sflag:s7] =	ssyncadd.s32 $0xFFFF8000  }
0x10: {  	[hbm4b:s8+s2] =	stream.linear.scatter [tilespmem:s6], [sflag:$0x2], $0x8000, $0x38;
	[tilespmem:$0x8200] =	vst v63  }
0x11: {  	_ =	swait.ge [sflag:s3], $0x8000  }
0x12: {  	s9 =	sadd.s32 $0xFFFFFFFF, s31;
	[sflag:s3] =	ssyncset.done $0x0  }
.LBB2_1:
0x13: {  	p0 =	sne.s32 s9, $0x1;
	s9 =	sadd.s32 $0xFFFFFFFF, s9;
	[sflag:s3] =	ssyncadd.s32 $0xFFFF8000  }
0x14: {  	[tilespmem:s2], [sflag:$0x2] =	stream.linear.gather [hbm4b:s4+s2], $0x200, $0x38;
	[tilespmem:$0x8200] =	vst v63  }
0x15: {  	_ =	swait.ge [sflag:s3], $0x200  }
0x16: {  	[sflag:s3] =	ssyncset.done $0x0  }
0x17: {  	[sflag:s3] =	ssyncadd.s32 $0xFFFFFE00  }
0x18: {  	[tilespmem:s6], [sflag:$0x1] =	stream.indirect.gather [hbm4b:s5+s6], $0x40, s2, s6, $0xb8;
	[tilespmem:$0x8200] =	vst v63  }
0x19: {  	_ =	swait.ge [sflag:s7], $0x8000  }
.Ltmp1:
0x1a: {  	[sflag:s7] =	ssyncset.done $0x0;
	(pc) =	sbr.rel @p0 .LBB2_1-.Ltmp1, $4  }
0x1b: {  	[sflag:s7] =	ssyncadd.s32 $0xFFFF8000  }
0x1c: {  	[hbm4b:s8+s2] =	stream.linear.scatter [tilespmem:s6], [sflag:$0x2], $0x8000, $0x38;
	[tilespmem:$0x8200] =	vst v63  }
0x1d: {  	_ =	swait.ge [sflag:s3], $0x8000  }
0x1e: {  	[sflag:s3] =	ssyncset.done $0x0  }
.LBB2_2:
0x1f: {  	[sflag:s3] =	ssyncadd.s32 $0xFFFF8000  }
0x20: {  	_ =	sfence.sel $0x180000  }
0x21: {  	[bflag:$0x0] =	sbarrier.arrive $0xFFFF  }
0x22: {  	p0 =	sne.s32 s0, $0x0;
	_ =	strace $0x90000047  }
0x23: {  	s0 =	sadd.s32 @!p0 $0x100000, s1;
	[bflag:$0x2] =	sbarrier.arrive $0xFFFF  }
0x24: {  	[sflag:s0] =	ssyncadd.tile.s32 @!p0 $0x1;
	_ =	shalt  }
.Lfunc_end2:
_tile_overlayer_lowered:
.L_overlay_start_2:
0x25: {  	(tag) =	ssettag $0x2  }
0x26: {  	s0 =	rddreg [dreg:$0x0];
	s2 =	stileid.u32  }
0x27: {  	s1 =	rddreg [dreg:$0x1];
	p0 =	sne.s32 s2, $0x0  }
0x28: {  	s3 =	rddreg [dreg:$0x2];
	[bflag:$0x3] =	sbarrier.arrive $0xFFFF;
	s2 =	simm.s32 @!p0 $0x1C02  }
0x29: {  	[timem:s3], [sflag:s2] =	dma.local @!p0 [hbm:s0], s1  }
0x2a: {  	s0 =	simm.s32 @!p0 $0x2  }
0x2b: {  	_ =	swait.ge @!p0 [sflag:s0], s1  }
0x2c: {  	s1 =	ssub.s32 @!p0 $0x0, s1;
	[sflag:s0] =	ssyncset.done @!p0 $0x0  }
0x2d: {  	[sflag:s0] =	ssyncadd.s32 @!p0 s1  }
0x2e: {  	[bflag:$0x3] =	sbarrier.arrive $0xFFFF  }
0x2f: {  	_ =	shalt  }

</sc_bundles>
